<compile_context>
chip_gen: v7x
topology: tpu7x:2x2x1
jax: 0.10.2.dev20260603
libtpu: 0.0.44.dev20260713+nightly
codegen_flags: <defaults>
</compile_context>

<pallas_src>
import functools

import jax
import jax.numpy as jnp
from jax import lax
from jax.experimental import pallas as pl
from jax.experimental.pallas import tpu as pltpu
from jax.experimental.pallas import tpu_sc as plsc

_NUM_FIELDS = 26
_VOCAB = 100000
_EMBED_DIM = 32
_BATCH = 16384

_NC = 2
_NS = 16
_NBUF = 2


def _make_body(nfields):
    def _gather_body(x_hbm, tab_hbm, out_hbm, idx_v, row_v, sem_i, sem_g, sem_w):
        e = lax.axis_index("s") * _NC + lax.axis_index("c")

        pltpu.async_copy(x_hbm.at[0], idx_v.at[0], sem_i.at[0])

        @pl.loop(0, nfields)
        def _field(f):
            b = lax.rem(f, _NBUF)
            nb = lax.rem(f + 1, _NBUF)

            @pl.when(f + 1 < nfields)
            def _prefetch_idx():
                pltpu.async_copy(x_hbm.at[f + 1], idx_v.at[nb], sem_i.at[nb])

            pltpu.make_async_copy(x_hbm.at[0], idx_v.at[b], sem_i.at[b]).wait()

            @pl.when(f >= _NBUF)
            def _reclaim():
                pltpu.make_async_copy(
                    row_v.at[b], out_hbm.at[0, 0], sem_w.at[b]
                ).wait()

            half = _BATCH // 2
            for h in range(2):
                pltpu.async_copy(
                    tab_hbm.at[f, e].at[idx_v.at[b, pl.ds(h * half, half)]],
                    row_v.at[b, pl.ds(h * half, half)],
                    sem_g.at[b],
                )
            pltpu.make_async_copy(
                tab_hbm.at[0, 0], row_v.at[b], sem_g.at[b]
            ).wait()
            pltpu.async_copy(row_v.at[b], out_hbm.at[f, e], sem_w.at[b])

        for b in range(min(_NBUF, nfields)):
            pltpu.make_async_copy(
                row_v.at[b], out_hbm.at[0, 0], sem_w.at[b]
            ).wait()

    return _gather_body


def _make_gather(nfields):
    return functools.partial(
        pl.kernel,
        out_type=jax.ShapeDtypeStruct(
            (nfields, _EMBED_DIM, _BATCH), jnp.float32
        ),
        mesh=plsc.VectorSubcoreMesh(
            core_axis_name="c", subcore_axis_name="s",
            num_cores=_NC, num_subcores=_NS,
        ),
        scratch_types=[
            pltpu.VMEM((_NBUF, _BATCH), jnp.int32),
            pltpu.VMEM((_NBUF, _BATCH), jnp.float32),
            pltpu.SemaphoreType.DMA((_NBUF,)),
            pltpu.SemaphoreType.DMA((_NBUF,)),
            pltpu.SemaphoreType.DMA((_NBUF,)),
        ],
        compiler_params=pltpu.CompilerParams(use_tc_tiling_on_sc=False),
    )(_make_body(nfields))


_gather = _make_gather(_NUM_FIELDS)


def kernel(x, tables):
    x_t = x.T.astype(jnp.int32)
    tab_t = jnp.transpose(tables, (0, 2, 1))
    out_t = _gather(x_t, tab_t)
    return jnp.transpose(out_t, (2, 0, 1))

# --- scband reference (transcript-rebuilt; emitter-appended) ---
"""Pipeline reference for scband-embedding-encoder-14577119003365 (READ-ONLY COPY).

The authoritative reference and input builder live on the scoring server;
editing this copy changes nothing except your own understanding.
"""

import jax, jax.numpy as jnp
import numpy as np

NUM_FIELDS = 26
VOCAB = 100000
EMBED_DIM = 32
BATCH = 16384

def setup_inputs(seed: int = 0) -> dict:
    key = jax.random.key(seed)
    k_idx, k_tab = jax.random.split(key)
    x = jax.random.randint(k_idx, (BATCH, NUM_FIELDS), 0, VOCAB, dtype=jnp.int64 if jax.config.jax_enable_x64 else jnp.int32)
    # One embedding table per categorical column, stacked: [NUM_FIELDS, VOCAB, EMBED_DIM]
    tables = jax.random.normal(k_tab, (NUM_FIELDS, VOCAB, EMBED_DIM), dtype=jnp.float32)
    return {"x": x, "tables": tables}

def reference(x, tables):
    # Faithful translation of EmbeddingEncoder.forward:
    # per-column embedding lookup, then stack along dim=1 -> [B, n_cols, out_channels]
    xs = []
    for i in range(NUM_FIELDS):
        xs.append(jnp.take(tables[i], x[:, i], axis=0))
    return jnp.stack(xs, axis=1)

if __name__ == "__main__":
    import jax
    _d = setup_inputs()
    print(jax.jit(kernel)(*tuple(_d.values())))

</pallas_src>

<mosaic_0001>
#map = affine_map<(d0, d1) -> (0, 0)>
#map1 = affine_map<(d0, d1) -> (0, 0, 0)>
module attributes {stable_mosaic.version = 14 : i64} {
  func.func @_gather_body(%arg0: i32, %arg1: i32, %arg2: memref<26x16384xi32, #tpu.memory_space<hbm>>, %arg3: memref<26x32x100000xf32, #tpu.memory_space<hbm>>, %arg4: memref<26x32x16384xf32, #tpu.memory_space<hbm>>, %arg5: memref<2x16384xi32, #tpu.memory_space<vmem>>, %arg6: memref<2x16384xf32, #tpu.memory_space<vmem>>, %arg7: memref<2x!tpu.dma_semaphore, #tpu.memory_space<semaphore_mem>>, %arg8: memref<2x!tpu.dma_semaphore, #tpu.memory_space<semaphore_mem>>, %arg9: memref<2x!tpu.dma_semaphore, #tpu.memory_space<semaphore_mem>>) attributes {dimension_semantics = [#tpu.dimension_semantics<core_parallel>, #tpu.dimension_semantics<subcore_parallel>], iteration_bounds = array<i64: 2, 16>, scalar_prefetch = 0 : i64, scratch_operands = 5 : i64, tpu.core_type = #tpu.core_type<sc_vector_subcore>, window_params = [{transform_indices = #map}, {transform_indices = #map1}, {transform_indices = #map1}]} {
    %mul3A = arith.constant 2 : i32
    %mul3A_0 = arith.muli %arg1, %mul3A : i32
    %add3A = arith.addi %mul3A_0, %arg0 : i32
    %dma_start3A = arith.constant 0 : i32
    %dma_start3A_1 = arith.constant 0 : i32
    %dma_start3A_2 = arith.constant 0 : i32
    %dma_start3A_3 = arith.constant 0 : i32
    %dma_start3A_4 = tpu.memref_slice %arg5[%dma_start3A_1, %dma_start3A_3] : memref<2x16384xi32, #tpu.memory_space<vmem>> -> memref<1x16384xi32, #tpu.memory_space<vmem>>
    %dma_start3A_5 = tpu.memref_squeeze %dma_start3A_4 : memref<1x16384xi32, #tpu.memory_space<vmem>> -> memref<16384xi32, #tpu.memory_space<vmem>>
    %dma_start3A_6 = arith.constant 0 : i32
    %dma_start3A_7 = tpu.memref_slice %arg2[%dma_start3A, %dma_start3A_6] : memref<26x16384xi32, #tpu.memory_space<hbm>> -> memref<1x16384xi32, #tpu.memory_space<hbm>>
    %dma_start3A_8 = tpu.memref_squeeze %dma_start3A_7 : memref<1x16384xi32, #tpu.memory_space<hbm>> -> memref<16384xi32, #tpu.memory_space<hbm>>
    %dma_start3A_9 = tpu.memref_slice %arg7[%dma_start3A_2] : memref<2x!tpu.dma_semaphore, #tpu.memory_space<semaphore_mem>> -> memref<1x!tpu.dma_semaphore, #tpu.memory_space<semaphore_mem>>
    %dma_start3A_10 = tpu.memref_squeeze %dma_start3A_9 : memref<1x!tpu.dma_semaphore, #tpu.memory_space<semaphore_mem>> -> memref<!tpu.dma_semaphore, #tpu.memory_space<semaphore_mem>>
    %dma_start3A_11 = arith.constant 0 : i32
    %dma_start3A_12 = tpu.memref_slice %arg5[%dma_start3A_1, %dma_start3A_11] : memref<2x16384xi32, #tpu.memory_space<vmem>> -> memref<1x16384xi32, #tpu.memory_space<vmem>>
    %dma_start3A_13 = tpu.memref_squeeze %dma_start3A_12 : memref<1x16384xi32, #tpu.memory_space<vmem>> -> memref<16384xi32, #tpu.memory_space<vmem>>
    %dma_start3A_14 = arith.constant 0 : i32
    %dma_start3A_15 = tpu.memref_slice %arg2[%dma_start3A, %dma_start3A_14] : memref<26x16384xi32, #tpu.memory_space<hbm>> -> memref<1x16384xi32, #tpu.memory_space<hbm>>
    %dma_start3A_16 = tpu.memref_squeeze %dma_start3A_15 : memref<1x16384xi32, #tpu.memory_space<hbm>> -> memref<16384xi32, #tpu.memory_space<hbm>>
    tpu.enqueue_dma source(%dma_start3A_16 : memref<16384xi32, #tpu.memory_space<hbm>>) target(%dma_start3A_13 : memref<16384xi32, #tpu.memory_space<vmem>>) target_semaphore(%dma_start3A_10 : memref<!tpu.dma_semaphore, #tpu.memory_space<semaphore_mem>>)
    %scan3A = arith.constant 0 : i32
    %scan3A_17 = arith.constant 26 : i32
    %scan3A_18 = arith.addi %scan3A, %scan3A_17 : i32
    %scan3A_19 = arith.constant 1 : i32
    scf.for %scan3A_56 = %scan3A to %scan3A_18 step %scan3A_19  : i32 {
      %mul3A_57 = arith.constant 1 : i32
      %mul3A_58 = arith.muli %scan3A_56, %mul3A_57 : i32
      %add3A_59 = arith.constant 0 : i32
      %add3A_60 = arith.addi %add3A_59, %mul3A_58 : i32
      %rem3A = arith.constant 2 : i32
      %rem3A_61 = arith.remsi %add3A_60, %rem3A : i32
      %add3A_62 = arith.constant 1 : i32
      %add3A_63 = arith.addi %add3A_60, %add3A_62 : i32
      %rem3A_64 = arith.constant 2 : i32
      %rem3A_65 = arith.remsi %add3A_63, %rem3A_64 : i32
      %add3A_66 = arith.constant 1 : i32
      %add3A_67 = arith.addi %add3A_60, %add3A_66 : i32
      %lt3A = arith.constant 26 : i32
      %lt3A_68 = arith.cmpi slt, %add3A_67, %lt3A : i32
      %convert_element_type3A = arith.extui %lt3A_68 : i1 to i32
      %cond3A = arith.constant 0 : i32
      %cond3A_69 = arith.cmpi ne, %convert_element_type3A, %cond3A : i32
      scf.if %cond3A_69 {
        %add3A_145 = arith.constant 1 : i32
        %add3A_146 = arith.addi %add3A_60, %add3A_145 : i32
        %dma_start3A_147 = arith.constant 0 : i32
        %dma_start3A_148 = tpu.memref_slice %arg5[%rem3A_65, %dma_start3A_147] : memref<2x16384xi32, #tpu.memory_space<vmem>> -> memref<1x16384xi32, #tpu.memory_space<vmem>>
        %dma_start3A_149 = tpu.memref_squeeze %dma_start3A_148 : memref<1x16384xi32, #tpu.memory_space<vmem>> -> memref<16384xi32, #tpu.memory_space<vmem>>
        %dma_start3A_150 = arith.constant 0 : i32
        %dma_start3A_151 = tpu.memref_slice %arg2[%add3A_146, %dma_start3A_150] : memref<26x16384xi32, #tpu.memory_space<hbm>> -> memref<1x16384xi32, #tpu.memory_space<hbm>>
        %dma_start3A_152 = tpu.memref_squeeze %dma_start3A_151 : memref<1x16384xi32, #tpu.memory_space<hbm>> -> memref<16384xi32, #tpu.memory_space<hbm>>
        %dma_start3A_153 = tpu.memref_slice %arg7[%rem3A_65] : memref<2x!tpu.dma_semaphore, #tpu.memory_space<semaphore_mem>> -> memref<1x!tpu.dma_semaphore, #tpu.memory_space<semaphore_mem>>
        %dma_start3A_154 = tpu.memref_squeeze %dma_start3A_153 : memref<1x!tpu.dma_semaphore, #tpu.memory_space<semaphore_mem>> -> memref<!tpu.dma_semaphore, #tpu.memory_space<semaphore_mem>>
        %dma_start3A_155 = arith.constant 0 : i32
        %dma_start3A_156 = tpu.memref_slice %arg5[%rem3A_65, %dma_start3A_155] : memref<2x16384xi32, #tpu.memory_space<vmem>> -> memref<1x16384xi32, #tpu.memory_space<vmem>>
        %dma_start3A_157 = tpu.memref_squeeze %dma_start3A_156 : memref<1x16384xi32, #tpu.memory_space<vmem>> -> memref<16384xi32, #tpu.memory_space<vmem>>
        %dma_start3A_158 = arith.constant 0 : i32
        %dma_start3A_159 = tpu.memref_slice %arg2[%add3A_146, %dma_start3A_158] : memref<26x16384xi32, #tpu.memory_space<hbm>> -> memref<1x16384xi32, #tpu.memory_space<hbm>>
        %dma_start3A_160 = tpu.memref_squeeze %dma_start3A_159 : memref<1x16384xi32, #tpu.memory_space<hbm>> -> memref<16384xi32, #tpu.memory_space<hbm>>
        tpu.enqueue_dma source(%dma_start3A_160 : memref<16384xi32, #tpu.memory_space<hbm>>) target(%dma_start3A_157 : memref<16384xi32, #tpu.memory_space<vmem>>) target_semaphore(%dma_start3A_154 : memref<!tpu.dma_semaphore, #tpu.memory_space<semaphore_mem>>)
      } else {
      }
      %dma_wait3A_70 = arith.constant 0 : i32
      %dma_wait3A_71 = arith.constant 0 : i32
      %dma_wait3A_72 = tpu.memref_slice %arg5[%rem3A_61, %dma_wait3A_71] : memref<2x16384xi32, #tpu.memory_space<vmem>> -> memref<1x16384xi32, #tpu.memory_space<vmem>>
      %dma_wait3A_73 = tpu.memref_squeeze %dma_wait3A_72 : memref<1x16384xi32, #tpu.memory_space<vmem>> -> memref<16384xi32, #tpu.memory_space<vmem>>
      %dma_wait3A_74 = arith.constant 0 : i32
      %dma_wait3A_75 = tpu.memref_slice %arg2[%dma_wait3A_70, %dma_wait3A_74] : memref<26x16384xi32, #tpu.memory_space<hbm>> -> memref<1x16384xi32, #tpu.memory_space<hbm>>
      %dma_wait3A_76 = tpu.memref_squeeze %dma_wait3A_75 : memref<1x16384xi32, #tpu.memory_space<hbm>> -> memref<16384xi32, #tpu.memory_space<hbm>>
      %dma_wait3A_77 = tpu.memref_slice %arg7[%rem3A_61] : memref<2x!tpu.dma_semaphore, #tpu.memory_space<semaphore_mem>> -> memref<1x!tpu.dma_semaphore, #tpu.memory_space<semaphore_mem>>
      %dma_wait3A_78 = tpu.memref_squeeze %dma_wait3A_77 : memref<1x!tpu.dma_semaphore, #tpu.memory_space<semaphore_mem>> -> memref<!tpu.dma_semaphore, #tpu.memory_space<semaphore_mem>>
      %dma_wait3A_79 = arith.constant 0 : i32
      %dma_wait3A_80 = tpu.memref_slice %arg5[%rem3A_61, %dma_wait3A_79] : memref<2x16384xi32, #tpu.memory_space<vmem>> -> memref<1x16384xi32, #tpu.memory_space<vmem>>
      %dma_wait3A_81 = tpu.memref_squeeze %dma_wait3A_80 : memref<1x16384xi32, #tpu.memory_space<vmem>> -> memref<16384xi32, #tpu.memory_space<vmem>>
      %dma_wait3A_82 = arith.constant 0 : i32
      %dma_wait3A_83 = tpu.memref_slice %arg2[%dma_wait3A_70, %dma_wait3A_82] : memref<26x16384xi32, #tpu.memory_space<hbm>> -> memref<1x16384xi32, #tpu.memory_space<hbm>>
      %dma_wait3A_84 = tpu.memref_squeeze %dma_wait3A_83 : memref<1x16384xi32, #tpu.memory_space<hbm>> -> memref<16384xi32, #tpu.memory_space<hbm>>
      tpu.wait_dma2 semaphore(%dma_wait3A_78 : memref<!tpu.dma_semaphore, #tpu.memory_space<semaphore_mem>>) src(%dma_wait3A_84 : memref<16384xi32, #tpu.memory_space<hbm>>) dst(%dma_wait3A_81 : memref<16384xi32, #tpu.memory_space<vmem>>)
      %ge3A = arith.constant 2 : i32
      %ge3A_85 = arith.cmpi sge, %add3A_60, %ge3A : i32
      %convert_element_type3A_86 = arith.extui %ge3A_85 : i1 to i32
      %cond3A_87 = arith.constant 0 : i32
      %cond3A_88 = arith.cmpi ne, %convert_element_type3A_86, %cond3A_87 : i32
      scf.if %cond3A_88 {
        %dma_wait3A_145 = arith.constant 0 : i32
        %dma_wait3A_146 = arith.constant 0 : i32
        %dma_wait3A_147 = arith.constant 0 : i32
        %dma_wait3A_148 = tpu.memref_slice %arg6[%rem3A_61, %dma_wait3A_147] : memref<2x16384xf32, #tpu.memory_space<vmem>> -> memref<1x16384xf32, #tpu.memory_space<vmem>>
        %dma_wait3A_149 = tpu.memref_squeeze %dma_wait3A_148 : memref<1x16384xf32, #tpu.memory_space<vmem>> -> memref<16384xf32, #tpu.memory_space<vmem>>
        %dma_wait3A_150 = arith.constant 0 : i32
        %dma_wait3A_151 = tpu.memref_slice %arg4[%dma_wait3A_145, %dma_wait3A_146, %dma_wait3A_150] : memref<26x32x16384xf32, #tpu.memory_space<hbm>> -> memref<1x1x16384xf32, #tpu.memory_space<hbm>>
        %dma_wait3A_152 = tpu.memref_squeeze %dma_wait3A_151 : memref<1x1x16384xf32, #tpu.memory_space<hbm>> -> memref<16384xf32, #tpu.memory_space<hbm>>
        %dma_wait3A_153 = tpu.memref_slice %arg9[%rem3A_61] : memref<2x!tpu.dma_semaphore, #tpu.memory_space<semaphore_mem>> -> memref<1x!tpu.dma_semaphore, #tpu.memory_space<semaphore_mem>>
        %dma_wait3A_154 = tpu.memref_squeeze %dma_wait3A_153 : memref<1x!tpu.dma_semaphore, #tpu.memory_space<semaphore_mem>> -> memref<!tpu.dma_semaphore, #tpu.memory_space<semaphore_mem>>
        %dma_wait3A_155 = arith.constant 0 : i32
        %dma_wait3A_156 = tpu.memref_slice %arg4[%dma_wait3A_145, %dma_wait3A_146, %dma_wait3A_155] : memref<26x32x16384xf32, #tpu.memory_space<hbm>> -> memref<1x1x16384xf32, #tpu.memory_space<hbm>>
        %dma_wait3A_157 = tpu.memref_squeeze %dma_wait3A_156 : memref<1x1x16384xf32, #tpu.memory_space<hbm>> -> memref<16384xf32, #tpu.memory_space<hbm>>
        %dma_wait3A_158 = arith.constant 0 : i32
        %dma_wait3A_159 = tpu.memref_slice %arg6[%rem3A_61, %dma_wait3A_158] : memref<2x16384xf32, #tpu.memory_space<vmem>> -> memref<1x16384xf32, #tpu.memory_space<vmem>>
        %dma_wait3A_160 = tpu.memref_squeeze %dma_wait3A_159 : memref<1x16384xf32, #tpu.memory_space<vmem>> -> memref<16384xf32, #tpu.memory_space<vmem>>
        tpu.wait_dma2 semaphore(%dma_wait3A_154 : memref<!tpu.dma_semaphore, #tpu.memory_space<semaphore_mem>>) src(%dma_wait3A_160 : memref<16384xf32, #tpu.memory_space<vmem>>) dst(%dma_wait3A_157 : memref<16384xf32, #tpu.memory_space<hbm>>)
      } else {
      }
      %dma_start3A_89 = arith.constant 0 : i32
      %dma_start3A_90 = tpu.memref_slice %arg6[%rem3A_61, %dma_start3A_89] : memref<2x16384xf32, #tpu.memory_space<vmem>> -> memref<1x8192xf32, #tpu.memory_space<vmem>>
      %dma_start3A_91 = tpu.memref_squeeze %dma_start3A_90 : memref<1x8192xf32, #tpu.memory_space<vmem>> -> memref<8192xf32, #tpu.memory_space<vmem>>
      %dma_start3A_92 = arith.constant 0 : i32
      %dma_start3A_93 = tpu.memref_slice %arg5[%rem3A_61, %dma_start3A_92] : memref<2x16384xi32, #tpu.memory_space<vmem>> -> memref<1x8192xi32, #tpu.memory_space<vmem>>
      %dma_start3A_94 = tpu.memref_squeeze %dma_start3A_93 : memref<1x8192xi32, #tpu.memory_space<vmem>> -> memref<8192xi32, #tpu.memory_space<vmem>>
      %dma_start3A_95 = arith.constant 0 : i32
      %dma_start3A_96 = tpu.memref_slice %arg3[%add3A_60, %add3A, %dma_start3A_95] : memref<26x32x100000xf32, #tpu.memory_space<hbm>> -> memref<1x1x100000xf32, #tpu.memory_space<hbm>>
      %dma_start3A_97 = tpu.memref_squeeze %dma_start3A_96 : memref<1x1x100000xf32, #tpu.memory_space<hbm>> -> memref<100000xf32, #tpu.memory_space<hbm>>
      %dma_start3A_98 = arith.constant 0 : i32
      %dma_start3A_99 = tpu.memref_slice %dma_start3A_97[%dma_start3A_98] : memref<100000xf32, #tpu.memory_space<hbm>> -> memref<100000xf32, #tpu.memory_space<hbm>>
      %dma_start3A_100 = tpu.memref_slice %arg8[%rem3A_61] : memref<2x!tpu.dma_semaphore, #tpu.memory_space<semaphore_mem>> -> memref<1x!tpu.dma_semaphore, #tpu.memory_space<semaphore_mem>>
      %dma_start3A_101 = tpu.memref_squeeze %dma_start3A_100 : memref<1x!tpu.dma_semaphore, #tpu.memory_space<semaphore_mem>> -> memref<!tpu.dma_semaphore, #tpu.memory_space<semaphore_mem>>
      tpu.enqueue_indirect_dma source(%dma_start3A_99 : memref<100000xf32, #tpu.memory_space<hbm>>) target(%dma_start3A_91 : memref<8192xf32, #tpu.memory_space<vmem>>) offsets(%dma_start3A_94 : memref<8192xi32, #tpu.memory_space<vmem>>) semaphore(%dma_start3A_101 : memref<!tpu.dma_semaphore, #tpu.memory_space<semaphore_mem>>)
      %dma_start3A_102 = arith.constant 8192 : i32
      %dma_start3A_103 = tpu.memref_slice %arg6[%rem3A_61, %dma_start3A_102] : memref<2x16384xf32, #tpu.memory_space<vmem>> -> memref<1x8192xf32, #tpu.memory_space<vmem>>
      %dma_start3A_104 = tpu.memref_squeeze %dma_start3A_103 : memref<1x8192xf32, #tpu.memory_space<vmem>> -> memref<8192xf32, #tpu.memory_space<vmem>>
      %dma_start3A_105 = arith.constant 8192 : i32
      %dma_start3A_106 = tpu.memref_slice %arg5[%rem3A_61, %dma_start3A_105] : memref<2x16384xi32, #tpu.memory_space<vmem>> -> memref<1x8192xi32, #tpu.memory_space<vmem>>
      %dma_start3A_107 = tpu.memref_squeeze %dma_start3A_106 : memref<1x8192xi32, #tpu.memory_space<vmem>> -> memref<8192xi32, #tpu.memory_space<vmem>>
      %dma_start3A_108 = arith.constant 0 : i32
      %dma_start3A_109 = tpu.memref_slice %arg3[%add3A_60, %add3A, %dma_start3A_108] : memref<26x32x100000xf32, #tpu.memory_space<hbm>> -> memref<1x1x100000xf32, #tpu.memory_space<hbm>>
      %dma_start3A_110 = tpu.memref_squeeze %dma_start3A_109 : memref<1x1x100000xf32, #tpu.memory_space<hbm>> -> memref<100000xf32, #tpu.memory_space<hbm>>
      %dma_start3A_111 = arith.constant 0 : i32
      %dma_start3A_112 = tpu.memref_slice %dma_start3A_110[%dma_start3A_111] : memref<100000xf32, #tpu.memory_space<hbm>> -> memref<100000xf32, #tpu.memory_space<hbm>>
      %dma_start3A_113 = tpu.memref_slice %arg8[%rem3A_61] : memref<2x!tpu.dma_semaphore, #tpu.memory_space<semaphore_mem>> -> memref<1x!tpu.dma_semaphore, #tpu.memory_space<semaphore_mem>>
      %dma_start3A_114 = tpu.memref_squeeze %dma_start3A_113 : memref<1x!tpu.dma_semaphore, #tpu.memory_space<semaphore_mem>> -> memref<!tpu.dma_semaphore, #tpu.memory_space<semaphore_mem>>
      tpu.enqueue_indirect_dma source(%dma_start3A_112 : memref<100000xf32, #tpu.memory_space<hbm>>) target(%dma_start3A_104 : memref<8192xf32, #tpu.memory_space<vmem>>) offsets(%dma_start3A_107 : memref<8192xi32, #tpu.memory_space<vmem>>) semaphore(%dma_start3A_114 : memref<!tpu.dma_semaphore, #tpu.memory_space<semaphore_mem>>)
      %dma_wait3A_115 = arith.constant 0 : i32
      %dma_wait3A_116 = arith.constant 0 : i32
      %dma_wait3A_117 = arith.constant 0 : i32
      %dma_wait3A_118 = tpu.memref_slice %arg6[%rem3A_61, %dma_wait3A_117] : memref<2x16384xf32, #tpu.memory_space<vmem>> -> memref<1x16384xf32, #tpu.memory_space<vmem>>
      %dma_wait3A_119 = tpu.memref_squeeze %dma_wait3A_118 : memref<1x16384xf32, #tpu.memory_space<vmem>> -> memref<16384xf32, #tpu.memory_space<vmem>>
      %dma_wait3A_120 = arith.constant 0 : i32
      %dma_wait3A_121 = tpu.memref_slice %arg3[%dma_wait3A_115, %dma_wait3A_116, %dma_wait3A_120] : memref<26x32x100000xf32, #tpu.memory_space<hbm>> -> memref<1x1x100000xf32, #tpu.memory_space<hbm>>
      %dma_wait3A_122 = tpu.memref_squeeze %dma_wait3A_121 : memref<1x1x100000xf32, #tpu.memory_space<hbm>> -> memref<100000xf32, #tpu.memory_space<hbm>>
      %dma_wait3A_123 = tpu.memref_slice %arg8[%rem3A_61] : memref<2x!tpu.dma_semaphore, #tpu.memory_space<semaphore_mem>> -> memref<1x!tpu.dma_semaphore, #tpu.memory_space<semaphore_mem>>
      %dma_wait3A_124 = tpu.memref_squeeze %dma_wait3A_123 : memref<1x!tpu.dma_semaphore, #tpu.memory_space<semaphore_mem>> -> memref<!tpu.dma_semaphore, #tpu.memory_space<semaphore_mem>>
      %dma_wait3A_125 = arith.constant 0 : i32
      %dma_wait3A_126 = tpu.memref_slice %arg6[%rem3A_61, %dma_wait3A_125] : memref<2x16384xf32, #tpu.memory_space<vmem>> -> memref<1x16384xf32, #tpu.memory_space<vmem>>
      %dma_wait3A_127 = tpu.memref_squeeze %dma_wait3A_126 : memref<1x16384xf32, #tpu.memory_space<vmem>> -> memref<16384xf32, #tpu.memory_space<vmem>>
      %dma_wait3A_128 = arith.constant 0 : i32
      %dma_wait3A_129 = tpu.memref_slice %arg3[%dma_wait3A_115, %dma_wait3A_116, %dma_wait3A_128] : memref<26x32x100000xf32, #tpu.memory_space<hbm>> -> memref<1x1x100000xf32, #tpu.memory_space<hbm>>
      %dma_wait3A_130 = tpu.memref_squeeze %dma_wait3A_129 : memref<1x1x100000xf32, #tpu.memory_space<hbm>> -> memref<100000xf32, #tpu.memory_space<hbm>>
      tpu.wait_dma2 semaphore(%dma_wait3A_124 : memref<!tpu.dma_semaphore, #tpu.memory_space<semaphore_mem>>) src(%dma_wait3A_130 : memref<100000xf32, #tpu.memory_space<hbm>>) dst(%dma_wait3A_127 : memref<16384xf32, #tpu.memory_space<vmem>>)
      %dma_start3A_131 = arith.constant 0 : i32
      %dma_start3A_132 = tpu.memref_slice %arg6[%rem3A_61, %dma_start3A_131] : memref<2x16384xf32, #tpu.memory_space<vmem>> -> memref<1x16384xf32, #tpu.memory_space<vmem>>
      %dma_start3A_133 = tpu.memref_squeeze %dma_start3A_132 : memref<1x16384xf32, #tpu.memory_space<vmem>> -> memref<16384xf32, #tpu.memory_space<vmem>>
      %dma_start3A_134 = arith.constant 0 : i32
      %dma_start3A_135 = tpu.memref_slice %arg4[%add3A_60, %add3A, %dma_start3A_134] : memref<26x32x16384xf32, #tpu.memory_space<hbm>> -> memref<1x1x16384xf32, #tpu.memory_space<hbm>>
      %dma_start3A_136 = tpu.memref_squeeze %dma_start3A_135 : memref<1x1x16384xf32, #tpu.memory_space<hbm>> -> memref<16384xf32, #tpu.memory_space<hbm>>
      %dma_start3A_137 = tpu.memref_slice %arg9[%rem3A_61] : memref<2x!tpu.dma_semaphore, #tpu.memory_space<semaphore_mem>> -> memref<1x!tpu.dma_semaphore, #tpu.memory_space<semaphore_mem>>
      %dma_start3A_138 = tpu.memref_squeeze %dma_start3A_137 : memref<1x!tpu.dma_semaphore, #tpu.memory_space<semaphore_mem>> -> memref<!tpu.dma_semaphore, #tpu.memory_space<semaphore_mem>>
      %dma_start3A_139 = arith.constant 0 : i32
      %dma_start3A_140 = tpu.memref_slice %arg4[%add3A_60, %add3A, %dma_start3A_139] : memref<26x32x16384xf32, #tpu.memory_space<hbm>> -> memref<1x1x16384xf32, #tpu.memory_space<hbm>>
      %dma_start3A_141 = tpu.memref_squeeze %dma_start3A_140 : memref<1x1x16384xf32, #tpu.memory_space<hbm>> -> memref<16384xf32, #tpu.memory_space<hbm>>
      %dma_start3A_142 = arith.constant 0 : i32
      %dma_start3A_143 = tpu.memref_slice %arg6[%rem3A_61, %dma_start3A_142] : memref<2x16384xf32, #tpu.memory_space<vmem>> -> memref<1x16384xf32, #tpu.memory_space<vmem>>
      %dma_start3A_144 = tpu.memref_squeeze %dma_start3A_143 : memref<1x16384xf32, #tpu.memory_space<vmem>> -> memref<16384xf32, #tpu.memory_space<vmem>>
      tpu.enqueue_dma source(%dma_start3A_144 : memref<16384xf32, #tpu.memory_space<vmem>>) target(%dma_start3A_141 : memref<16384xf32, #tpu.memory_space<hbm>>) target_semaphore(%dma_start3A_138 : memref<!tpu.dma_semaphore, #tpu.memory_space<semaphore_mem>>)
    }
    %scan3A_20 = arith.constant 26 : i32
    %dma_wait3A = arith.constant 0 : i32
    %dma_wait3A_21 = arith.constant 0 : i32
    %dma_wait3A_22 = arith.constant 0 : i32
    %dma_wait3A_23 = arith.constant 0 : i32
    %dma_wait3A_24 = arith.constant 0 : i32
    %dma_wait3A_25 = tpu.memref_slice %arg6[%dma_wait3A, %dma_wait3A_24] : memref<2x16384xf32, #tpu.memory_space<vmem>> -> memref<1x16384xf32, #tpu.memory_space<vmem>>
    %dma_wait3A_26 = tpu.memref_squeeze %dma_wait3A_25 : memref<1x16384xf32, #tpu.memory_space<vmem>> -> memref<16384xf32, #tpu.memory_space<vmem>>
    %dma_wait3A_27 = arith.constant 0 : i32
    %dma_wait3A_28 = tpu.memref_slice %arg4[%dma_wait3A_21, %dma_wait3A_22, %dma_wait3A_27] : memref<26x32x16384xf32, #tpu.memory_space<hbm>> -> memref<1x1x16384xf32, #tpu.memory_space<hbm>>
    %dma_wait3A_29 = tpu.memref_squeeze %dma_wait3A_28 : memref<1x1x16384xf32, #tpu.memory_space<hbm>> -> memref<16384xf32, #tpu.memory_space<hbm>>
    %dma_wait3A_30 = tpu.memref_slice %arg9[%dma_wait3A_23] : memref<2x!tpu.dma_semaphore, #tpu.memory_space<semaphore_mem>> -> memref<1x!tpu.dma_semaphore, #tpu.memory_space<semaphore_mem>>
    %dma_wait3A_31 = tpu.memref_squeeze %dma_wait3A_30 : memref<1x!tpu.dma_semaphore, #tpu.memory_space<semaphore_mem>> -> memref<!tpu.dma_semaphore, #tpu.memory_space<semaphore_mem>>
    %dma_wait3A_32 = arith.constant 0 : i32
    %dma_wait3A_33 = tpu.memref_slice %arg4[%dma_wait3A_21, %dma_wait3A_22, %dma_wait3A_32] : memref<26x32x16384xf32, #tpu.memory_space<hbm>> -> memref<1x1x16384xf32, #tpu.memory_space<hbm>>
    %dma_wait3A_34 = tpu.memref_squeeze %dma_wait3A_33 : memref<1x1x16384xf32, #tpu.memory_space<hbm>> -> memref<16384xf32, #tpu.memory_space<hbm>>
    %dma_wait3A_35 = arith.constant 0 : i32
    %dma_wait3A_36 = tpu.memref_slice %arg6[%dma_wait3A, %dma_wait3A_35] : memref<2x16384xf32, #tpu.memory_space<vmem>> -> memref<1x16384xf32, #tpu.memory_space<vmem>>
    %dma_wait3A_37 = tpu.memref_squeeze %dma_wait3A_36 : memref<1x16384xf32, #tpu.memory_space<vmem>> -> memref<16384xf32, #tpu.memory_space<vmem>>
    tpu.wait_dma2 semaphore(%dma_wait3A_31 : memref<!tpu.dma_semaphore, #tpu.memory_space<semaphore_mem>>) src(%dma_wait3A_37 : memref<16384xf32, #tpu.memory_space<vmem>>) dst(%dma_wait3A_34 : memref<16384xf32, #tpu.memory_space<hbm>>)
    %dma_wait3A_38 = arith.constant 1 : i32
    %dma_wait3A_39 = arith.constant 0 : i32
    %dma_wait3A_40 = arith.constant 0 : i32
    %dma_wait3A_41 = arith.constant 1 : i32
    %dma_wait3A_42 = arith.constant 0 : i32
    %dma_wait3A_43 = tpu.memref_slice %arg6[%dma_wait3A_38, %dma_wait3A_42] : memref<2x16384xf32, #tpu.memory_space<vmem>> -> memref<1x16384xf32, #tpu.memory_space<vmem>>
    %dma_wait3A_44 = tpu.memref_squeeze %dma_wait3A_43 : memref<1x16384xf32, #tpu.memory_space<vmem>> -> memref<16384xf32, #tpu.memory_space<vmem>>
    %dma_wait3A_45 = arith.constant 0 : i32
    %dma_wait3A_46 = tpu.memref_slice %arg4[%dma_wait3A_39, %dma_wait3A_40, %dma_wait3A_45] : memref<26x32x16384xf32, #tpu.memory_space<hbm>> -> memref<1x1x16384xf32, #tpu.memory_space<hbm>>
    %dma_wait3A_47 = tpu.memref_squeeze %dma_wait3A_46 : memref<1x1x16384xf32, #tpu.memory_space<hbm>> -> memref<16384xf32, #tpu.memory_space<hbm>>
    %dma_wait3A_48 = tpu.memref_slice %arg9[%dma_wait3A_41] : memref<2x!tpu.dma_semaphore, #tpu.memory_space<semaphore_mem>> -> memref<1x!tpu.dma_semaphore, #tpu.memory_space<semaphore_mem>>
    %dma_wait3A_49 = tpu.memref_squeeze %dma_wait3A_48 : memref<1x!tpu.dma_semaphore, #tpu.memory_space<semaphore_mem>> -> memref<!tpu.dma_semaphore, #tpu.memory_space<semaphore_mem>>
    %dma_wait3A_50 = arith.constant 0 : i32
    %dma_wait3A_51 = tpu.memref_slice %arg4[%dma_wait3A_39, %dma_wait3A_40, %dma_wait3A_50] : memref<26x32x16384xf32, #tpu.memory_space<hbm>> -> memref<1x1x16384xf32, #tpu.memory_space<hbm>>
    %dma_wait3A_52 = tpu.memref_squeeze %dma_wait3A_51 : memref<1x1x16384xf32, #tpu.memory_space<hbm>> -> memref<16384xf32, #tpu.memory_space<hbm>>
    %dma_wait3A_53 = arith.constant 0 : i32
    %dma_wait3A_54 = tpu.memref_slice %arg6[%dma_wait3A_38, %dma_wait3A_53] : memref<2x16384xf32, #tpu.memory_space<vmem>> -> memref<1x16384xf32, #tpu.memory_space<vmem>>
    %dma_wait3A_55 = tpu.memref_squeeze %dma_wait3A_54 : memref<1x16384xf32, #tpu.memory_space<vmem>> -> memref<16384xf32, #tpu.memory_space<vmem>>
    tpu.wait_dma2 semaphore(%dma_wait3A_49 : memref<!tpu.dma_semaphore, #tpu.memory_space<semaphore_mem>>) src(%dma_wait3A_55 : memref<16384xf32, #tpu.memory_space<vmem>>) dst(%dma_wait3A_52 : memref<16384xf32, #tpu.memory_space<hbm>>)
    return
  }
}

</mosaic_0001>

<sc_bundles>
// kernel: kernel.3.cloned.1.call-start
scs
__scs_entry_jumppad:
0x0: {  	(pc) =	sbr.rel $0x88, $3  }
0x1: {  	(tag) =	ssettag $0x0;
	lr =	simm.s32 $0x1  }
0x2: {  	[smem:$0x3F9F] =	sst lr;
	_ =	strace $0xD0000000  }
0x3: {  	_ = 	snop  }
0x4: {  	_ = 	snop  }
0x5: {  	_ = 	snop  }
0x6: {  	_ = 	snop  }
0x7: {  	_ = 	snop  }
__scs_overlays_trampoline_lowered:
0x8: {  	[smem:$0x3FAE] =	sst s0  }
0x9: {  	[smem:$0x3FAF] =	sst s1  }
0xa: {  	[smem:$0x3FB0] =	sst s2  }
0xb: {  	[smem:$0x3FB1] =	sst s3  }
0xc: {  	[smem:$0x3FB2] =	sst s4  }
0xd: {  	[smem:$0x3FB3] =	sst s5  }
0xe: {  	[smem:$0x3FB4] =	sst s6  }
0xf: {  	[smem:$0x3FB5] =	sst s7  }
0x10: {  	[smem:$0x3FB6] =	sst s8  }
0x11: {  	[smem:$0x3FB7] =	sst s9;
	s0 =	simm.s32 @!p0 $0x0  }
0x12: {  	s1 =	sld [smem:$0x3F9D];
	s0 =	simm.s32 @p0 $0x1  }
0x13: {  	[smem:$0x3FB8] =	sst s0;
	s0 =	simm.s32 @!p1 $0x0  }
0x14: {  	s2 =	sld [smem:$0x3F9C];
	s0 =	simm.s32 @p1 $0x1  }
0x15: {  	[smem:$0x3FB9] =	sst s0;
	s0 =	simm.s32 @!p2 $0x0  }
0x16: {  	s3 =	sld [smem:$0x3FDB];
	s0 =	simm.s32 @p2 $0x1  }
0x17: {  	s4 =	simm.s32 $0x1BF5;
	[smem:$0x3FBB] =	sst s0  }
0x18: {  	s0 =	sld [smem:$0x3F9E];
	_ =	swait.ge [sflag:s4], $0x0  }
0x19: {  	s7 =	sld [smem:$0x3F9F]  }
0x1a: {  	s8 =	sadd.s32 $0xFFFFE003, lr  }
0x1b: {  	s9 =	sadd.s32 $0xFFFFFEF7, lr;
	s5 =	simm.s32 $0xFFFFFFFF;
	p2 =	slt.u32 s8, $0xFFFFF086  }
0x1c: {  	p1 =	slt.u32 s9, $0xF7A;
	s5 =	simm.s32 @!p2 $0x0  }
0x1d: {  	s5 =	simm.s32 @p1 $0x1;
	p0 =	seq.s32 s7, s2  }
0x1e: {  	s7 =	smul.u32 @!p0 $0xF7A, s2;
	p2 =	seq.s32 @!p0 s5, $0x0  }
0x1f: {  	s9 =	smul.u32 $0xF7A, s1;
	s8 =	simm.s32 @!p0 $0x1BF5;
	p2 =	por !p2, p0  }
0x20: {  	[sflag:s8] =	ssyncset.s32 @!p0 $0xFFFFF086;
	s6 =	sadd.s32 @!p0 s3, s7;
	s7 =	simm.s32 @!p0 $0x108  }
0x21: {  	s3 =	sadd.s32 s3, s9;
	s6 =	sadd.s32 @!p0 $0x88, s6;
	s7 =	simm.s32 @p2 $0x1082  }
0x22: {  	[simem:s7], [sflag:s8] =	dma.local @!p0 [hbm:s6], $0xF7A  }
0x23: {  	s9 =	sor.u32 $0xD0000000, s2;
	s6 =	simm.s32 $0x108;
	_ =	swait.ge @!p0 [sflag:s8], $0x0  }
0x24: {  	s3 =	sadd.s32 $0x88, s3;
	s6 =	simm.s32 @!p1 $0x1082;
	[sflag:s4] =	ssyncset.s32 $0xFFFFF086  }
0x25: {  	[simem:s6], [sflag:s4] =	dma.local [hbm:s3], $0xF7A  }
0x26: {  	[smem:$0x3F9F] =	sst s1;
	(tag) =	ssettag s2;
	_ =	strace s9  }
0x27: {  	s1 =	sld [smem:$0x3FAF]  }
0x28: {  	s2 =	sld [smem:$0x3FB0]  }
0x29: {  	s4 =	sld [smem:$0x3FB2]  }
0x2a: {  	p0 =	seq.s32 s5, $0x0;
	s5 =	sld [smem:$0x3FB3]  }
0x2b: {  	s6 =	sld [smem:$0x3FB4]  }
0x2c: {  	s7 =	sld [smem:$0x3FB5]  }
0x2d: {  	s3 =	simm.s32 $0x108;
	s8 =	sld [smem:$0x3FB6]  }
0x2e: {  	s3 =	simm.s32 @!p0 $0x1082;
	s9 =	sld [smem:$0x3FB7]  }
0x2f: {  	lr =	sadd.s32 s0, s3;
	s0 =	sld [smem:$0x3FAE]  }
0x30: {  	s3 =	sld [smem:$0x3FB1]  }
0x31: {  	[smem:$0x3FBA] =	sst s10  }
0x32: {  	s10 =	sld [smem:$0x3FB8];
	_ =	sdelay $0x3  }
0x33: {  	p0 =	seq.s32 s10, $0x1;
	s10 =	sld [smem:$0x3FBA];
	_ =	sdelay $0x3  }
0x34: {  	[smem:$0x3FBA] =	sst s10  }
0x35: {  	s10 =	sld [smem:$0x3FB9];
	_ =	sdelay $0x3  }
0x36: {  	p1 =	seq.s32 s10, $0x1;
	s10 =	sld [smem:$0x3FBA];
	_ =	sdelay $0x3  }
0x37: {  	[smem:$0x3FBA] =	sst s10  }
0x38: {  	s10 =	sld [smem:$0x3FBB]  }
0x39: {  	_ = 	snop;
	(pc) =	sbr.ind lr, $3  }
0x3a: {  	_ = 	snop  }
0x3b: {  	_ = 	snop  }
0x3c: {  	p2 =	seq.s32 s10, $0x1;
	s10 =	sld [smem:$0x3FBA]  }
0x3d: {  	_ =	shalt  }
0x3e: {  	_ =	shalt  }
0x3f: {  	_ =	shalt  }
0x40: {  	_ =	shalt  }
0x41: {  	_ =	shalt  }
0x42: {  	_ =	shalt  }
0x43: {  	_ =	shalt  }
0x44: {  	_ =	shalt  }
0x45: {  	_ =	shalt  }
0x46: {  	_ =	shalt  }
0x47: {  	_ =	shalt  }
0x48: {  	_ =	shalt  }
0x49: {  	_ =	shalt  }
0x4a: {  	_ =	shalt  }
0x4b: {  	_ =	shalt  }
0x4c: {  	_ =	shalt  }
0x4d: {  	_ =	shalt  }
0x4e: {  	_ =	shalt  }
0x4f: {  	_ =	shalt  }
0x50: {  	_ =	shalt  }
0x51: {  	_ =	shalt  }
0x52: {  	_ =	shalt  }
0x53: {  	_ =	shalt  }
0x54: {  	_ =	shalt  }
0x55: {  	_ =	shalt  }
0x56: {  	_ =	shalt  }
0x57: {  	_ =	shalt  }
0x58: {  	_ =	shalt  }
0x59: {  	_ =	shalt  }
0x5a: {  	_ =	shalt  }
0x5b: {  	_ =	shalt  }
0x5c: {  	_ =	shalt  }
0x5d: {  	_ =	shalt  }
0x5e: {  	_ =	shalt  }
0x5f: {  	_ =	shalt  }
0x60: {  	_ =	shalt  }
0x61: {  	_ =	shalt  }
0x62: {  	_ =	shalt  }
0x63: {  	_ =	shalt  }
0x64: {  	_ =	shalt  }
0x65: {  	_ =	shalt  }
0x66: {  	_ =	shalt  }
0x67: {  	_ =	shalt  }
0x68: {  	_ =	shalt  }
0x69: {  	_ =	shalt  }
0x6a: {  	_ =	shalt  }
0x6b: {  	_ =	shalt  }
0x6c: {  	_ =	shalt  }
0x6d: {  	_ =	shalt  }
0x6e: {  	_ =	shalt  }
0x6f: {  	_ =	shalt  }
0x70: {  	_ =	shalt  }
0x71: {  	_ =	shalt  }
0x72: {  	_ =	shalt  }
0x73: {  	_ =	shalt  }
0x74: {  	_ =	shalt  }
0x75: {  	_ =	shalt  }
0x76: {  	_ =	shalt  }
0x77: {  	_ =	shalt  }
0x78: {  	_ =	shalt  }
0x79: {  	_ =	shalt  }
0x7a: {  	_ =	shalt  }
0x7b: {  	_ =	shalt  }
0x7c: {  	_ =	shalt  }
0x7d: {  	_ =	shalt  }
0x7e: {  	_ =	shalt  }
0x7f: {  	_ =	shalt  }
0x80: {  	_ =	shalt  }
0x81: {  	_ =	shalt  }
0x82: {  	_ =	shalt  }
0x83: {  	_ =	shalt  }
0x84: {  	_ =	shalt  }
0x85: {  	_ =	shalt  }
0x86: {  	_ =	shalt  }
0x87: {  	_ =	shalt  }
.Lfunc_end0:
.L_simem_size_0:
called_computation_lowered:
.L_overlay_start_0:
0x88: {  	s2 =	sld [smem:$0x3FD9]  }
0x89: {  	s3 =	sld [smem:$0x3FFE];
	_ =	sdelay $0x1  }
0x8a: {  	s1 =	srdreg.scid  }
0x8b: {  	s0 =	sand.u32 $0x1, s1  }
0x8c: {  	s17 =	sshll.u32 s0, $0xA;
	s2 =	sadd.s32 s3, s2  }
0x8d: {  	s2 =	sadd.s32 s2, s17  }
0x8e: {  	[smem:$0x3FC6] =	sst s2  }
0x8f: {  	_ = 	snop  }
0x90: {  	s2 =	sld [smem:$0x3FD0];
	(tm) =	ssettm $0x1  }
0x91: {  	s18 =	sld [smem:$0x3FFB];
	_ =	sdelay $0x3  }
0x92: {  	_ =	strace s18  }
0x93: {  	s3 =	sld [smem:$0x3FFC];
	_ =	sdelay $0x3  }
0x94: {  	_ =	strace s3  }
0x95: {  	s3 =	sld [smem:$0x3FFD];
	_ =	sdelay $0x3  }
0x96: {  	_ =	strace s3  }
0x97: {  	_ =	strace $0x8FFFFFFF  }
0x98: {  	s19 =	sld [smem:$0x3FDB];
	_ =	sdelay $0x1  }
0x99: {  	s4 =	simm.s32 $_scs_section_size  }
0x9a: {  	s5 =	simm.s32 $_size__tile_overlayer_lowered;
	s6 =	simm.s32 $_tile_overlayer_lowered  }
0x9b: {  	s22 =	simm.s32 $0x1BFF;
	s21 =	sshll.u32 s6, $0x1;
	s3 =	sadd.s32 s4, s19  }
0x9c: {  	s7 =	simm.s32 $0x0;
	s20 =	sshll.u32 s5, $0x1;
	s5 =	sadd.s32 s21, s3  }
0x9d: {  	[timem:s7], [sflag:s22] =	dma.local [hbm:s5], s20  }
0x9e: {  	_ =	swait.ge [sflag:s22], s20  }
0x9f: {  	s4 =	ssub.s32 $0x0, s20;
	[sflag:s22] =	ssyncset.done $0x0  }
0xa0: {  	[sflag:s22] =	ssyncadd.s32 s4;
	_ =	sdelay $0x1  }
0xa1: {  	s23 =	simm.s32 $0x1B8B  }
0xa2: {  	_ =	swait.ge [sflag:s23], $0x1  }
0xa3: {  	[sflag:s23] =	ssyncset.done $0x0  }
0xa4: {  	s25 =	simm.s32 $0x1B8E;
	s24 =	sld [smem:$0x3FFE];
	[sflag:s23] =	ssyncadd.s32 $0xFFFFFFFF  }
0xa5: {  	s26 =	simm.s32 $execute0_lowered;
	[smem:$0x3FD2] =	sst s25  }
0xa6: {  	s5 =	sshll.u32 s26, $0x1;
	_ =	strace $0x80000046;
	[dreg:$0x1] =	wrdreg $0xFFFFFFFF  }
0xa7: {  	s28 =	simm.s32 $_size_execute0_lowered;
	s3 =	sadd.s32 s3, s5;
	[dreg:$0x0] =	wrdreg $0x0  }
0xa8: {  	s5 =	sshll.u32 s28, $0x1;
	[dreg:$0x2] =	wrdreg s3  }
0xa9: {  	[dreg:$0x3] =	wrdreg s5  }
0xaa: {  	[dreg:$0x4] =	wrdreg $0xC0  }
0xab: {  	_ =	task [dreg:s7], $0x5FFFF  }
0xac: {  	[dreg:$0x1] =	wrdreg $0xFFFFFFFF  }
0xad: {  	[dreg:$0x0] =	wrdreg $0x60  }
0xae: {  	[dreg:$0x2] =	wrdreg s2  }
0xaf: {  	[dreg:$0x3] =	wrdreg s24  }
0xb0: {  	[dreg:$0x4] =	wrdreg $0x9  }
0xb1: {  	_ =	task.clear_ibuf [dreg:s7], $0x5FFFF;
	_ =	strace $0x90000046  }
0xb2: {  	s29 =	simm.s32 $0x9;
	_ =	strace $0x80000048  }
0xb3: {  	_ =	swait.ge [sflag:s29], $0x1  }
0xb4: {  	[sflag:s29] =	ssyncadd.s32 $0xFFFFFFFF  }
0xb5: {  	_ =	strace $0x90000048  }
0xb6: {  	_ =	sfence  }
0xb7: {  	s30 =	sld [smem:$0x0];
	_ =	sdelay $0x2  }
0xb8: {  	s31 =	sshll.u32 s1, $0xD;
	s1 =	sshrl.u32 s1, $0x2  }
0xb9: {  	s3 =	sand.u32 $0x4000, s31;
	s1 =	sadd.s32 s1, s30  }
0xba: {  	s0 =	sor.u32 s3, s0;
	s1 =	sshll.u32 s1, $0x11  }
0xbb: {  	s0 =	sor.u32 s1, s0  }
0xbc: {  	s0 =	sadd.s32 $0x8F2B, s0  }
0xbd: {  	[sflag:s0] =	ssyncadd.remote.s32 $0x1  }
0xbe: {  	_ =	sfence.sel $0xFFFF  }
0xbf: {  	[dreg:$0x0] =	wrdreg $0xFFFFFFFF;
	(pc) =	sbr.abs _section_cstart, $3  }
0xc0: {  	[dreg:$0x1] =	wrdreg $0xFFFFFFFF  }
0xc1: {  	_ =	task.clear_ibuf [dreg:s7], $0x2FFFF;
	_ =	strace $0x9FFFFFFF  }
0xc2: {  	(tm) =	ssettm $0x7FFFFFFF  }
0xc3: {  	_ =	shalt  }
tec
execute0_lowered:
.L_overlay_start_1:
0x0: {  	(tag) =	ssettag $0x1  }
0x1: {  	s9 =	rddreg [dreg:$0x0]  }
0x2: {  	s0 =	rddreg [dreg:$0x1];
	s3 =	simm.s32 $0x0  }
0x3: {  	s1 =	srdreg.scid;
	s10 =	stileid.u32;
	s16 =	simm.s32 $0x4000  }
0x4: {  	s17 =	simm.s32 $0x1;
	s28 =	simm.s32 $0x5;
	s29 =	simm.s32 $0x0  }
0x5: {  	[smem:$0x7FF] =	sst s3;
	s1 =	sand.u32 $0x1, s1;
	s2 =	sshll.u32 s10, $0x1  }
0x6: {  	s8 =	sadd.s32 $0x400, s0;
	s0 =	sadd.s32 $0x9EB600, s0;
	s21 =	smul.u32 $0x30D40, s10  }
0x7: {  	s11 =	sadd.s32 $0x800, s9;
	s24 =	sadd.s32 $0x1000, s9;
	s25 =	sshll.u32 s10, $0xC  }
0x8: {  	s15 =	sadd.s32 $0x1800, s9;
	_ =	strace $0x80000047;
	s2 =	sor.u32 s1, s2  }
0x9: {  	s4 =	ssub.s32 $0x2, s1;
	s23 =	smul.u32 $0x186A0, s1;
	[dreg:$0x5] =	wrdreg s11  }
0xa: {  	[dreg:$0x6] =	wrdreg s24;
	s1 =	sshll.u32 s1, $0xB;
	s24 =	simm.s32 $0xE000  }
0xb: {  	s5 =	smul.u32 $0x186A0, s2;
	s6 =	sshrl.u32 s4, $0x1;
	s2 =	sshll.u32 s2, $0xB  }
0xc: {  	s6 =	ssub.s32 s4, s6;
	s18 =	sadd.s32 s0, s2;
	s0 =	sadd.s32 s25, s0  }
0xd: {  	s2 =	sadd.s32 s23, s21;
	s21 =	simm.s32 $0x2;
	s23 =	simm.s32 $0x6000  }
0xe: {  	s25 =	simm.s32 $0x4;
	s19 =	sshrl.u32 s5, $0x3;
	s20 =	smax.u32 s6, $0x1  }
0xf: {  	s22 =	sadd.s32 $0x190000, s18;
	s0 =	sadd.s32 s1, s0;
	s26 =	sadd.s32 $0x61A800, s2  }
0x10: {  	s12 =	smov.u32 s18;
	s30 =	sadd.s32 $0x10000, s18;
	[dreg:$0x3] =	wrdreg s20  }
0x11: {  	s18 =	simm.s32 $0x2000;
	s6 =	sadd.s32 s8, s19;
	[dreg:$0x4] =	wrdreg s22  }
0x12: {  	[dreg:$0x7] =	wrdreg s30;
	s5 =	sadd.s32 $0x20000, s0;
	s31 =	sshrl.u32 s26, $0x3  }
0x13: {  	s19 =	simm.s32 $0x8000;
	s22 =	simm.s32 $0xC000;
	s26 =	simm.s32 $0x6  }
0x14: {  	s7 =	sadd.s32 $0x989680, s6;
	s11 =	sadd.s32 $0x61A80, s6;
	s14 =	sadd.s32 s31, s8  }
.LBB2_1:
0x15: {  	s0 =	rddreg [dreg:$0x0]  }
0x16: {  	[tilespmem:s3], [sflag:$0x1] =	stream.linear.gather [hbm4b:s0+s3], $0x4000, $0x38;
	[tilespmem:$0x10000] =	vst v63  }
0x17: {  	s20 =	rddreg [dreg:$0x5]  }
0x18: {  	[tilespmem:s16], [sflag:$0x2] =	stream.linear.gather [hbm4b:s20+s3], $0x4000, $0x38;
	[tilespmem:$0x10000] =	vst v63  }
0x19: {  	_ =	swait.ge [sflag:s17], $0x4000  }
0x1a: {  	[sflag:s17] =	ssyncset.done $0x0  }
0x1b: {  	[sflag:s17] =	ssyncadd.s32 $0xFFFFC000  }
0x1c: {  	[tilespmem:s19], [sflag:$0x3] =	stream.indirect.gather [hbm4b:s6+s18], $0x1, s3, s18, $0xb8;
	[tilespmem:$0x10000] =	vst v63  }
0x1d: {  	s1 =	simm.s32 $0xA000;
	s2 =	simm.s32 $0x3  }
0x1e: {  	[tilespmem:s1], [sflag:$0x3] =	stream.indirect.gather [hbm4b:s6+s18], $0x1, s18, s18, $0xb8;
	[tilespmem:$0x10000] =	vst v63  }
0x1f: {  	_ =	swait.ge [sflag:s2], $0x4000  }
0x20: {  	[sflag:s2] =	ssyncset.done $0x0  }
0x21: {  	[sflag:s2] =	ssyncadd.s32 $0xFFFFC000  }
0x22: {  	[hbm4b:s12+s3] =	stream.linear.scatter [tilespmem:s19], [sflag:$0x5], $0x4000, $0x38;
	[tilespmem:$0x10000] =	vst v63  }
0x23: {  	s1 =	rddreg [dreg:$0x6]  }
0x24: {  	[tilespmem:s3], [sflag:$0x1] =	stream.linear.gather [hbm4b:s1+s3], $0x4000, $0x38;
	[tilespmem:$0x10000] =	vst v63  }
0x25: {  	_ =	swait.ge [sflag:s21], $0x4000  }
0x26: {  	[sflag:s21] =	ssyncset.done $0x0  }
0x27: {  	[sflag:s21] =	ssyncadd.s32 $0xFFFFC000  }
0x28: {  	[tilespmem:s22], [sflag:$0x4] =	stream.indirect.gather [hbm4b:s11+s18], $0x1, s16, s18, $0xb8;
	[tilespmem:$0x10000] =	vst v63  }
0x29: {  	_ = 	snop  }
0x2a: {  	[tilespmem:s24], [sflag:$0x4] =	stream.indirect.gather [hbm4b:s11+s18], $0x1, s23, s18, $0xb8;
	[tilespmem:$0x10000] =	vst v63  }
0x2b: {  	_ =	swait.ge [sflag:s25], $0x4000  }
0x2c: {  	s8 =	simm.s32 $0x2;
	s0 =	sand.u32 $0x1, s2;
	[sflag:s25] =	ssyncset.done $0x0  }
0x2d: {  	s1 =	sand.u32 $0x1, s8;
	s4 =	rddreg [dreg:$0x7];
	[sflag:s25] =	ssyncadd.s32 $0xFFFFC000  }
0x2e: {  	[hbm4b:s4+s3] =	stream.linear.scatter [tilespmem:s22], [sflag:$0x6], $0x4000, $0x38;
	[tilespmem:$0x10000] =	vst v63  }
0x2f: {  	s2 =	sshll.u32 s0, $0xE;
	s0 =	sadd.s32 $0x1, s0;
	s9 =	sadd.s32 $0x1, s1  }
0x30: {  	[tilespmem:s2], [sflag:s0] =	stream.linear.gather [hbm4b:s15+s3], $0x4000, $0x38;
	[tilespmem:$0x10000] =	vst v63  }
0x31: {  	_ =	swait.ge [sflag:s9], $0x4000  }
0x32: {  	[sflag:s9] =	ssyncset.done $0x0  }
0x33: {  	s31 =	sadd.s32 $0x5, s1;
	[sflag:s9] =	ssyncadd.s32 $0xFFFFC000  }
0x34: {  	_ =	swait.ge [sflag:s31], $0x4000  }
0x35: {  	s10 =	sshll.u32 s1, $0xE;
	[sflag:s31] =	ssyncset.done $0x0  }
0x36: {  	s8 =	sadd.s32 $0x3, s1;
	s20 =	sor.u32 $0x8000, s10;
	[sflag:s31] =	ssyncadd.s32 $0xFFFFC000  }
0x37: {  	[tilespmem:s20], [sflag:s8] =	stream.indirect.gather [hbm4b:s14+s18], $0x1, s10, s18, $0xb8;
	[tilespmem:$0x10000] =	vst v63  }
0x38: {  	s30 =	simm.s32 $0x4;
	s13 =	sor.u32 $0x2000, s10;
	s0 =	sor.u32 $0xA000, s10  }
0x39: {  	[tilespmem:s0], [sflag:s8] =	stream.indirect.gather [hbm4b:s14+s18], $0x1, s13, s18, $0xb8;
	[tilespmem:$0x10000] =	vst v63  }
0x3a: {  	s1 =	sadd.s32 $0x61A80, s14;
	s2 =	sadd.s32 $0x10000, s5;
	_ =	swait.ge [sflag:s8], $0x4000  }
0x3b: {  	s0 =	sadd.s32 $0x800, s15;
	s13 =	smov.u32 s5;
	[sflag:s8] =	ssyncset.done $0x0  }
.LBB2_2:
0x3c: {  	s9 =	sadd.s32 $0xFFFFFFFF, s30;
	s10 =	sand.u32 $0x1, s30;
	[sflag:s8] =	ssyncadd.s32 $0xFFFFC000  }
0x3d: {  	[hbm4b:s13+s3] =	stream.linear.scatter [tilespmem:s20], [sflag:s31], $0x4000, $0x38;
	[tilespmem:$0x10000] =	vst v63  }
0x3e: {  	s8 =	sand.u32 $0x1, s9;
	s9 =	sshll.u32 s10, $0xE;
	s10 =	sadd.s32 $0x1, s10  }
0x3f: {  	[tilespmem:s9], [sflag:s10] =	stream.linear.gather [hbm4b:s0+s3], $0x4000, $0x38;
	[tilespmem:$0x10000] =	vst v63  }
0x40: {  	p0 =	sne.s32 s30, $0x19;
	s30 =	sadd.s32 $0x1, s30;
	s9 =	sadd.s32 $0x1, s8  }
0x41: {  	s13 =	smov.u32 s2;
	_ =	swait.ge [sflag:s9], $0x4000  }
0x42: {  	s31 =	sadd.s32 $0x5, s8;
	[sflag:s9] =	ssyncset.done $0x0  }
0x43: {  	[sflag:s9] =	ssyncadd.s32 $0xFFFFC000  }
0x44: {  	s9 =	sshll.u32 s8, $0xE;
	_ =	swait.ge [sflag:s31], $0x4000  }
0x45: {  	s8 =	sadd.s32 $0x3, s8;
	s20 =	sor.u32 $0x8000, s9;
	[sflag:s31] =	ssyncset.done $0x0  }
0x46: {  	s10 =	sor.u32 $0x2000, s9;
	s4 =	sor.u32 $0xA000, s9;
	[sflag:s31] =	ssyncadd.s32 $0xFFFFC000  }
0x47: {  	[tilespmem:s20], [sflag:s8] =	stream.indirect.gather [hbm4b:s1+s18], $0x1, s9, s18, $0xb8;
	[tilespmem:$0x10000] =	vst v63  }
.Ltmp0:
0x48: {  	_ = 	snop;
	(pc) =	sbr.rel @p0 .LBB2_2-.Ltmp0, $4  }
0x49: {  	_ = 	snop  }
0x4a: {  	[tilespmem:s4], [sflag:s8] =	stream.indirect.gather [hbm4b:s1+s18], $0x1, s10, s18, $0xb8;
	[tilespmem:$0x10000] =	vst v63  }
0x4b: {  	s0 =	sadd.s32 $0x800, s0;
	_ =	swait.ge [sflag:s8], $0x4000  }
0x4c: {  	s2 =	sadd.s32 $0x10000, s2;
	s1 =	sadd.s32 $0x61A80, s1;
	[sflag:s8] =	ssyncset.done $0x0  }
0x4d: {  	[sflag:s8] =	ssyncadd.s32 $0xFFFFC000  }
0x4e: {  	[hbm4b:s13+s3] =	stream.linear.scatter [tilespmem:s20], [sflag:s31], $0x4000, $0x38;
	[tilespmem:$0x10000] =	vst v63  }
0x4f: {  	_ =	swait.ge [sflag:s21], $0x4000  }
0x50: {  	[sflag:s21] =	ssyncset.done $0x0  }
0x51: {  	[sflag:s21] =	ssyncadd.s32 $0xFFFFC000  }
0x52: {  	_ =	swait.ge [sflag:s26], $0x4000  }
0x53: {  	[sflag:s26] =	ssyncset.done $0x0  }
0x54: {  	[sflag:s26] =	ssyncadd.s32 $0xFFFFC000  }
0x55: {  	[tilespmem:s22], [sflag:$0x4] =	stream.indirect.gather [hbm4b:s7+s18], $0x1, s16, s18, $0xb8;
	[tilespmem:$0x10000] =	vst v63  }
0x56: {  	_ = 	snop  }
0x57: {  	[tilespmem:s24], [sflag:$0x4] =	stream.indirect.gather [hbm4b:s7+s18], $0x1, s23, s18, $0xb8;
	[tilespmem:$0x10000] =	vst v63  }
0x58: {  	_ =	swait.ge [sflag:s25], $0x4000  }
0x59: {  	[sflag:s25] =	ssyncset.done $0x0  }
0x5a: {  	s0 =	rddreg [dreg:$0x4];
	[sflag:s25] =	ssyncadd.s32 $0xFFFFC000  }
0x5b: {  	[hbm4b:s0+s3] =	stream.linear.scatter [tilespmem:s22], [sflag:$0x6], $0x4000, $0x38;
	[tilespmem:$0x10000] =	vst v63  }
0x5c: {  	_ =	swait.ge [sflag:s28], $0x4000  }
0x5d: {  	[sflag:s28] =	ssyncset.done $0x0  }
0x5e: {  	[sflag:s28] =	ssyncadd.s32 $0xFFFFC000  }
0x5f: {  	_ =	swait.ge [sflag:s26], $0x4000  }
0x60: {  	s29 =	sadd.s32 $0x1, s29;
	s31 =	rddreg [dreg:$0x3]  }
0x61: {  	p0 =	sne.s32 s29, s31  }
.Ltmp1:
0x62: {  	_ = 	snop;
	(pc) =	sbr.rel @p0 .LBB2_1-.Ltmp1, $3  }
0x63: {  	_ =	sdelay $0x1  }
0x64: {  	[sflag:s26] =	ssyncset.done $0x0  }
0x65: {  	[sflag:s26] =	ssyncadd.s32 $0xFFFFC000  }
0x66: {  	_ =	sfence.sel $0x180000  }
0x67: {  	[bflag:$0x0] =	sbarrier.arrive $0xFFFF  }
0x68: {  	_ =	strace $0x90000047  }
0x69: {  	s0 =	stileid.u32;
	[bflag:$0x2] =	sbarrier.arrive $0xFFFF  }
0x6a: {  	p0 =	sne.s32 s0, $0x0;
	s0 =	rddreg [dreg:$0x2]  }
0x6b: {  	s0 =	sadd.s32 @!p0 $0x100000, s0  }
0x6c: {  	[sflag:s0] =	ssyncadd.tile.s32 @!p0 $0x1;
	_ =	shalt  }
.Lfunc_end2:
_tile_overlayer_lowered:
.L_overlay_start_2:
0x6d: {  	(tag) =	ssettag $0x2  }
0x6e: {  	s0 =	rddreg [dreg:$0x0];
	s2 =	stileid.u32  }
0x6f: {  	s1 =	rddreg [dreg:$0x1];
	p0 =	sne.s32 s2, $0x0  }
0x70: {  	s3 =	rddreg [dreg:$0x2];
	[bflag:$0x3] =	sbarrier.arrive $0xFFFF;
	s2 =	simm.s32 @!p0 $0x1C07  }
0x71: {  	[timem:s3], [sflag:s2] =	dma.local @!p0 [hbm:s0], s1  }
0x72: {  	s0 =	simm.s32 @!p0 $0x7  }
0x73: {  	_ =	swait.ge @!p0 [sflag:s0], s1  }
0x74: {  	s1 =	ssub.s32 @!p0 $0x0, s1;
	[sflag:s0] =	ssyncset.done @!p0 $0x0  }
0x75: {  	[sflag:s0] =	ssyncadd.s32 @!p0 s1  }
0x76: {  	[bflag:$0x3] =	sbarrier.arrive $0xFFFF  }
0x77: {  	_ =	shalt  }

</sc_bundles>
